<compile_context>
chip_gen: v7x
topology: tpu7x:2x2x1
jax: 0.10.2.dev20260603
libtpu: 0.0.44.dev20260713+nightly
codegen_flags: <defaults>
</compile_context>

<pallas_src>
import functools

import jax
import jax.numpy as jnp
from jax import lax
from jax.experimental import pallas as pl
from jax.experimental.pallas import tpu as pltpu
from jax.experimental.pallas import tpu_sc as plsc

B = 16384
V = 100000
NUM_CORES = 2
NUM_SUBCORES = 16
NW = NUM_CORES * NUM_SUBCORES
BPW = B // NW
RBLK = 8192
BLK = 2048
TBLK = 8192

_F32 = jnp.float32
_HI = lax.Precision.HIGHEST


def _repack_body(umf_t, imf_t, umlp_t, imlp_t, out_r):
    stacked = jnp.concatenate(
        [umf_t[...], imf_t[...], umlp_t[...], imlp_t[...]], axis=0)
    out_r[:, 0:96] = jnp.swapaxes(stacked, 0, 1)


def _repack(umf_t, imf_t, umlp_t, imlp_t):
    grid = (pl.cdiv(V, RBLK),)
    spec = lambda d: pl.BlockSpec((d, RBLK), lambda b: (0, b))
    return pl.pallas_call(
        _repack_body,
        grid=grid,
        in_specs=[spec(16), spec(16), spec(32), spec(32)],
        out_specs=pl.BlockSpec((RBLK, 128), lambda b: (b, 0)),
        out_shape=jax.ShapeDtypeStruct((V, 128), _F32),
        compiler_params=pltpu.CompilerParams(
            dimension_semantics=("arbitrary",)),
    )(umf_t, imf_t, umlp_t, imlp_t)


def _gather(combined, u, i):
    mesh = plsc.VectorSubcoreMesh(core_axis_name="c", subcore_axis_name="s")

    @functools.partial(
        pl.kernel,
        mesh=mesh,
        compiler_params=pltpu.CompilerParams(use_tc_tiling_on_sc=True),
        out_type=(
            jax.ShapeDtypeStruct((B, 128), _F32),
            jax.ShapeDtypeStruct((B, 128), _F32),
        ),
        scratch_types=[
            pltpu.VMEM((BPW,), jnp.int32),
            pltpu.VMEM((BPW,), jnp.int32),
            pltpu.VMEM((BPW // 2, 128), _F32),
            pltpu.VMEM((BPW // 2, 128), _F32),
            pltpu.SemaphoreType.DMA,
            pltpu.SemaphoreType.DMA,
        ],
    )
    def k(c_hbm, u_hbm, i_hbm, o_u, o_i, uidx, iidx, buf_a, buf_b, sem_a,
          sem_b):
        wid = lax.axis_index("s") * NUM_CORES + lax.axis_index("c")
        base = wid * BPW
        half = BPW // 2
        pltpu.sync_copy(u_hbm.at[pl.ds(base, BPW)], uidx)
        pltpu.sync_copy(i_hbm.at[pl.ds(base, BPW)], iidx)
        c0 = pltpu.async_copy(c_hbm.at[uidx.at[pl.ds(0, half)]], buf_a, sem_a)
        c1 = pltpu.async_copy(c_hbm.at[uidx.at[pl.ds(half, half)]], buf_b,
                              sem_b)
        c0.wait()
        pltpu.sync_copy(buf_a, o_u.at[pl.ds(base, half)])
        c2 = pltpu.async_copy(c_hbm.at[iidx.at[pl.ds(0, half)]], buf_a, sem_a)
        c1.wait()
        pltpu.sync_copy(buf_b, o_u.at[pl.ds(base + half, half)])
        c3 = pltpu.async_copy(c_hbm.at[iidx.at[pl.ds(half, half)]], buf_b,
                              sem_b)
        c2.wait()
        pltpu.sync_copy(buf_a, o_i.at[pl.ds(base, half)])
        c3.wait()
        pltpu.sync_copy(buf_b, o_i.at[pl.ds(base + half, half)])

    return k(combined, u, i)


def _text_body(text_t, wt_t, bt_r, out_r):
    bf = jnp.bfloat16
    x1 = lax.dot_general(wt_t[...].astype(bf), text_t[...].astype(bf),
                         (((1,), (0,)), ((), ())),
                         preferred_element_type=jnp.float32)
    bt_col = jnp.swapaxes(bt_r[...], 0, 1)
    out_r[...] = jnp.maximum(x1 + bt_col, 0.0)


def _text(text_t, wt_t, bt):
    grid = (B // TBLK,)
    return pl.pallas_call(
        _text_body,
        grid=grid,
        in_specs=[pl.BlockSpec((50, TBLK), lambda b: (0, b)),
                  pl.BlockSpec((16, 50), lambda b: (0, 0)),
                  pl.BlockSpec((1, 16), lambda b: (0, 0))],
        out_specs=pl.BlockSpec((16, TBLK), lambda b: (0, b)),
        out_shape=jax.ShapeDtypeStruct((16, B), _F32),
        compiler_params=pltpu.CompilerParams(
            dimension_semantics=("arbitrary",)),
    )(text_t, wt_t, bt)


def _dense_body(urows, irows, tvt, w1_t, b1_r, w2_t, b2_r, wp_t, bp_r, out_r):
    bf = jnp.bfloat16
    f32 = jnp.float32
    def dot_t(a, w_t):
        return lax.dot_general(a.astype(bf), w_t.astype(bf),
                               (((1,), (1,)), ((), ())),
                               preferred_element_type=f32)
    umlp = urows[:, 32:64]
    imlp = irows[:, 64:96]
    h = (dot_t(umlp, w1_t[:, 0:32]) + dot_t(imlp, w1_t[:, 32:64])
         + lax.dot_general(tvt[...].astype(bf), w1_t[:, 64:80].astype(bf),
                           (((0,), (1,)), ((), ())),
                           preferred_element_type=f32)
         + b1_r[...])
    h = jnp.maximum(h, 0.0)
    h = jnp.maximum(dot_t(h, w2_t[...]) + b2_r[...], 0.0)
    mf = urows[:, 0:16] * irows[:, 16:32]
    logit = jnp.sum(mf * wp_t[:, 0:16] + h * wp_t[:, 16:32], axis=1) + bp_r[0, 0]
    out_r[...] = jax.nn.sigmoid(logit).reshape(BLK // 128, 128)


def _dense(urows, irows, tvt, w1_t, b1, w2_t, b2, wp_t, bp):
    grid = (B // BLK,)
    full = lambda shape: pl.BlockSpec(shape, lambda b: (0, 0))
    return pl.pallas_call(
        _dense_body,
        grid=grid,
        in_specs=[pl.BlockSpec((BLK, 128), lambda b: (b, 0)),
                  pl.BlockSpec((BLK, 128), lambda b: (b, 0)),
                  pl.BlockSpec((16, BLK), lambda b: (0, b)),
                  full((32, 80)), full((1, 32)), full((16, 32)),
                  full((1, 16)), full((1, 32)), full((1, 1))],
        out_specs=pl.BlockSpec((BLK // 128, 128), lambda b: (b, 0)),
        out_shape=jax.ShapeDtypeStruct((B // 128, 128), _F32),
        compiler_params=pltpu.CompilerParams(
            dimension_semantics=("arbitrary",),
            fuse_transposed_lhs_in_matmul=True),
    )(urows, irows, tvt, w1_t, b1, w2_t, b2, wp_t, bp).reshape(B)


def kernel(u, i, text_features, emb_user_mf, emb_item_mf, emb_user_mlp,
           emb_item_mlp, W_text, b_text, W1, b1, W2, b2, Wp, bp):
    combined = _repack(emb_user_mf.T, emb_item_mf.T,
                       emb_user_mlp.T, emb_item_mlp.T)
    urows, irows = _gather(combined, u, i)
    tvt = _text(text_features.T, W_text.T, b_text.reshape(1, 16))
    return _dense(urows, irows, tvt,
                  W1.T, b1.reshape(1, 32),
                  W2.T, b2.reshape(1, 16), Wp.T, bp.reshape(1, 1))

# --- scband reference (transcript-rebuilt; emitter-appended) ---
"""Pipeline reference for scband-advanced-ncfmodel-57354993270951 (READ-ONLY COPY).

The authoritative reference and input builder live on the scoring server;
editing this copy changes nothing except your own understanding.
"""

import jax, jax.numpy as jnp
import numpy as np

NUM_USERS = 100000
NUM_ITEMS = 100000
TEXT_DIM = 50
MF_DIM = 16
MLP_DIM = 32  # layers[0] // 2
BATCH = 16384


def setup_inputs(seed: int = 0) -> dict:
    key = jax.random.key(seed)
    ks = jax.random.split(key, 16)
    u = jax.random.randint(ks[0], (BATCH,), 0, NUM_USERS, dtype=jnp.int32)
    i = jax.random.randint(ks[1], (BATCH,), 0, NUM_ITEMS, dtype=jnp.int32)
    text_features = jax.random.normal(ks[2], (BATCH, TEXT_DIM), dtype=jnp.float32)
    emb_user_mf = jax.random.normal(ks[3], (NUM_USERS, MF_DIM), dtype=jnp.float32) * 0.02
    emb_item_mf = jax.random.normal(ks[4], (NUM_ITEMS, MF_DIM), dtype=jnp.float32) * 0.02
    emb_user_mlp = jax.random.normal(ks[5], (NUM_USERS, MLP_DIM), dtype=jnp.float32) * 0.02
    emb_item_mlp = jax.random.normal(ks[6], (NUM_ITEMS, MLP_DIM), dtype=jnp.float32) * 0.02
    W_text = jax.random.normal(ks[7], (TEXT_DIM, 16), dtype=jnp.float32) * 0.1
    b_text = jnp.zeros((16,), dtype=jnp.float32)
    W1 = jax.random.normal(ks[8], (MLP_DIM * 2 + 16, 32), dtype=jnp.float32) * 0.1
    b1 = jnp.zeros((32,), dtype=jnp.float32)
    W2 = jax.random.normal(ks[9], (32, 16), dtype=jnp.float32) * 0.1
    b2 = jnp.zeros((16,), dtype=jnp.float32)
    Wp = jax.random.normal(ks[10], (MF_DIM + 16, 1), dtype=jnp.float32) * 0.1
    bp = jnp.zeros((1,), dtype=jnp.float32)
    return {
        "u": u, "i": i, "text_features": text_features,
        "emb_user_mf": emb_user_mf, "emb_item_mf": emb_item_mf,
        "emb_user_mlp": emb_user_mlp, "emb_item_mlp": emb_item_mlp,
        "W_text": W_text, "b_text": b_text,
        "W1": W1, "b1": b1, "W2": W2, "b2": b2,
        "Wp": Wp, "bp": bp,
    }


def reference(u, i, text_features, emb_user_mf, emb_item_mf, emb_user_mlp,
              emb_item_mlp, W_text, b_text, W1, b1, W2, b2, Wp, bp):
    # GMF branch: elementwise product of user/item MF embeddings
    mf_vec = jnp.take(emb_user_mf, u, axis=0) * jnp.take(emb_item_mf, i, axis=0)
    # MLP branch
    user_mlp = jnp.take(emb_user_mlp, u, axis=0)
    item_mlp = jnp.take(emb_item_mlp, i, axis=0)
    # text dense layer (dropout = identity in eval mode)
    text_vec = jax.nn.relu(text_features @ W_text + b_text)
    mlp_vec = jnp.concatenate([user_mlp, item_mlp, text_vec], axis=-1)
    h = jax.nn.relu(mlp_vec @ W1 + b1)
    h = jax.nn.relu(h @ W2 + b2)
    predict_vec = jnp.concatenate([mf_vec, h], axis=-1)
    out = jax.nn.sigmoid(predict_vec @ Wp + bp)
    return jnp.squeeze(out, axis=-1)

if __name__ == "__main__":
    import jax
    _d = setup_inputs()
    print(jax.jit(kernel)(*tuple(_d.values())))

</pallas_src>

<mosaic_0001>
#map = affine_map<(d0, d1) -> (0, 0)>
#map1 = affine_map<(d0, d1) -> (0)>
module attributes {stable_mosaic.version = 14 : i64} {
  func.func @k(%arg0: i32, %arg1: i32, %arg2: memref<100000x128xf32, #tpu.memory_space<hbm>>, %arg3: memref<16384xi32, #tpu.memory_space<hbm>>, %arg4: memref<16384xi32, #tpu.memory_space<hbm>>, %arg5: memref<16384x128xf32, #tpu.memory_space<hbm>>, %arg6: memref<16384x128xf32, #tpu.memory_space<hbm>>, %arg7: memref<512xi32, #tpu.memory_space<vmem>>, %arg8: memref<512xi32, #tpu.memory_space<vmem>>, %arg9: memref<256x128xf32, #tpu.memory_space<vmem>>, %arg10: memref<256x128xf32, #tpu.memory_space<vmem>>, %arg11: memref<!tpu.dma_semaphore, #tpu.memory_space<semaphore_mem>>, %arg12: memref<!tpu.dma_semaphore, #tpu.memory_space<semaphore_mem>>) attributes {dimension_semantics = [#tpu.dimension_semantics<core_parallel>, #tpu.dimension_semantics<subcore_parallel>], iteration_bounds = array<i64: 2, 16>, scalar_prefetch = 0 : i64, scratch_operands = 6 : i64, tpu.core_type = #tpu.core_type<sc_vector_subcore>, window_params = [{transform_indices = #map}, {transform_indices = #map1}, {transform_indices = #map1}, {transform_indices = #map}, {transform_indices = #map}]} {
    %mul3A = arith.constant 2 : i32
    %mul3A_0 = arith.muli %arg1, %mul3A : i32
    %add3A = arith.addi %mul3A_0, %arg0 : i32
    %mul3A_1 = arith.constant 512 : i32
    %mul3A_2 = arith.muli %add3A, %mul3A_1 : i32
    "tpu.region"() ({
      %run_scoped3A = tpu.sem_alloc : memref<!tpu.dma_semaphore, #tpu.memory_space<semaphore_mem>>
      %dma_start3A_45 = tpu.memref_slice %arg3[%mul3A_2] : memref<16384xi32, #tpu.memory_space<hbm>> -> memref<512xi32, #tpu.memory_space<hbm>>
      %dma_start3A_46 = tpu.memref_slice %arg3[%mul3A_2] : memref<16384xi32, #tpu.memory_space<hbm>> -> memref<512xi32, #tpu.memory_space<hbm>>
      tpu.enqueue_dma source(%dma_start3A_46 : memref<512xi32, #tpu.memory_space<hbm>>) target(%arg7 : memref<512xi32, #tpu.memory_space<vmem>>) target_semaphore(%run_scoped3A : memref<!tpu.dma_semaphore, #tpu.memory_space<semaphore_mem>>)
      %dma_wait3A_47 = tpu.memref_slice %arg3[%mul3A_2] : memref<16384xi32, #tpu.memory_space<hbm>> -> memref<512xi32, #tpu.memory_space<hbm>>
      %dma_wait3A_48 = tpu.memref_slice %arg3[%mul3A_2] : memref<16384xi32, #tpu.memory_space<hbm>> -> memref<512xi32, #tpu.memory_space<hbm>>
      tpu.wait_dma2 semaphore(%run_scoped3A : memref<!tpu.dma_semaphore, #tpu.memory_space<semaphore_mem>>) src(%dma_wait3A_48 : memref<512xi32, #tpu.memory_space<hbm>>) dst(%arg7 : memref<512xi32, #tpu.memory_space<vmem>>)
      tpu.yield
    }) : () -> ()
    "tpu.region"() ({
      %run_scoped3A = tpu.sem_alloc : memref<!tpu.dma_semaphore, #tpu.memory_space<semaphore_mem>>
      %dma_start3A_45 = tpu.memref_slice %arg4[%mul3A_2] : memref<16384xi32, #tpu.memory_space<hbm>> -> memref<512xi32, #tpu.memory_space<hbm>>
      %dma_start3A_46 = tpu.memref_slice %arg4[%mul3A_2] : memref<16384xi32, #tpu.memory_space<hbm>> -> memref<512xi32, #tpu.memory_space<hbm>>
      tpu.enqueue_dma source(%dma_start3A_46 : memref<512xi32, #tpu.memory_space<hbm>>) target(%arg8 : memref<512xi32, #tpu.memory_space<vmem>>) target_semaphore(%run_scoped3A : memref<!tpu.dma_semaphore, #tpu.memory_space<semaphore_mem>>)
      %dma_wait3A_47 = tpu.memref_slice %arg4[%mul3A_2] : memref<16384xi32, #tpu.memory_space<hbm>> -> memref<512xi32, #tpu.memory_space<hbm>>
      %dma_wait3A_48 = tpu.memref_slice %arg4[%mul3A_2] : memref<16384xi32, #tpu.memory_space<hbm>> -> memref<512xi32, #tpu.memory_space<hbm>>
      tpu.wait_dma2 semaphore(%run_scoped3A : memref<!tpu.dma_semaphore, #tpu.memory_space<semaphore_mem>>) src(%dma_wait3A_48 : memref<512xi32, #tpu.memory_space<hbm>>) dst(%arg8 : memref<512xi32, #tpu.memory_space<vmem>>)
      tpu.yield
    }) : () -> ()
    %dma_start3A = arith.constant 0 : i32
    %dma_start3A_3 = tpu.memref_slice %arg7[%dma_start3A] : memref<512xi32, #tpu.memory_space<vmem>> -> memref<256xi32, #tpu.memory_space<vmem>>
    %dma_start3A_4 = arith.constant 0 : i32
    %dma_start3A_5 = arith.constant 0 : i32
    %dma_start3A_6 = tpu.memref_slice %arg2[%dma_start3A_4, %dma_start3A_5] : memref<100000x128xf32, #tpu.memory_space<hbm>> -> memref<100000x128xf32, #tpu.memory_space<hbm>>
    tpu.enqueue_indirect_dma source(%dma_start3A_6 : memref<100000x128xf32, #tpu.memory_space<hbm>>) target(%arg9 : memref<256x128xf32, #tpu.memory_space<vmem>>) offsets(%dma_start3A_3 : memref<256xi32, #tpu.memory_space<vmem>>) semaphore(%arg11 : memref<!tpu.dma_semaphore, #tpu.memory_space<semaphore_mem>>)
    %dma_start3A_7 = arith.constant 256 : i32
    %dma_start3A_8 = tpu.memref_slice %arg7[%dma_start3A_7] : memref<512xi32, #tpu.memory_space<vmem>> -> memref<256xi32, #tpu.memory_space<vmem>>
    %dma_start3A_9 = arith.constant 0 : i32
    %dma_start3A_10 = arith.constant 0 : i32
    %dma_start3A_11 = tpu.memref_slice %arg2[%dma_start3A_9, %dma_start3A_10] : memref<100000x128xf32, #tpu.memory_space<hbm>> -> memref<100000x128xf32, #tpu.memory_space<hbm>>
    tpu.enqueue_indirect_dma source(%dma_start3A_11 : memref<100000x128xf32, #tpu.memory_space<hbm>>) target(%arg10 : memref<256x128xf32, #tpu.memory_space<vmem>>) offsets(%dma_start3A_8 : memref<256xi32, #tpu.memory_space<vmem>>) semaphore(%arg12 : memref<!tpu.dma_semaphore, #tpu.memory_space<semaphore_mem>>)
    %dma_wait3A = arith.constant 0 : i32
    %dma_wait3A_12 = tpu.memref_slice %arg7[%dma_wait3A] : memref<512xi32, #tpu.memory_space<vmem>> -> memref<256xi32, #tpu.memory_space<vmem>>
    %dma_wait3A_13 = arith.constant 0 : i32
    %dma_wait3A_14 = arith.constant 0 : i32
    %dma_wait3A_15 = tpu.memref_slice %arg2[%dma_wait3A_13, %dma_wait3A_14] : memref<100000x128xf32, #tpu.memory_space<hbm>> -> memref<100000x128xf32, #tpu.memory_space<hbm>>
    tpu.wait_indirect_dma semaphore(%arg11 : memref<!tpu.dma_semaphore, #tpu.memory_space<semaphore_mem>>) src(%dma_wait3A_15 : memref<100000x128xf32, #tpu.memory_space<hbm>>) dst(%arg9 : memref<256x128xf32, #tpu.memory_space<vmem>>)
    "tpu.region"() ({
      %run_scoped3A = tpu.sem_alloc : memref<!tpu.dma_semaphore, #tpu.memory_space<semaphore_mem>>
      %dma_start3A_45 = arith.constant 0 : i32
      %dma_start3A_46 = tpu.memref_slice %arg5[%mul3A_2, %dma_start3A_45] : memref<16384x128xf32, #tpu.memory_space<hbm>> -> memref<256x128xf32, #tpu.memory_space<hbm>>
      %dma_start3A_47 = arith.constant 0 : i32
      %dma_start3A_48 = tpu.memref_slice %arg5[%mul3A_2, %dma_start3A_47] : memref<16384x128xf32, #tpu.memory_space<hbm>> -> memref<256x128xf32, #tpu.memory_space<hbm>>
      tpu.enqueue_dma source(%arg9 : memref<256x128xf32, #tpu.memory_space<vmem>>) target(%dma_start3A_48 : memref<256x128xf32, #tpu.memory_space<hbm>>) target_semaphore(%run_scoped3A : memref<!tpu.dma_semaphore, #tpu.memory_space<semaphore_mem>>)
      %dma_wait3A_49 = arith.constant 0 : i32
      %dma_wait3A_50 = tpu.memref_slice %arg5[%mul3A_2, %dma_wait3A_49] : memref<16384x128xf32, #tpu.memory_space<hbm>> -> memref<256x128xf32, #tpu.memory_space<hbm>>
      %dma_wait3A_51 = arith.constant 0 : i32
      %dma_wait3A_52 = tpu.memref_slice %arg5[%mul3A_2, %dma_wait3A_51] : memref<16384x128xf32, #tpu.memory_space<hbm>> -> memref<256x128xf32, #tpu.memory_space<hbm>>
      tpu.wait_dma2 semaphore(%run_scoped3A : memref<!tpu.dma_semaphore, #tpu.memory_space<semaphore_mem>>) src(%arg9 : memref<256x128xf32, #tpu.memory_space<vmem>>) dst(%dma_wait3A_52 : memref<256x128xf32, #tpu.memory_space<hbm>>)
      tpu.yield
    }) : () -> ()
    %dma_start3A_16 = arith.constant 0 : i32
    %dma_start3A_17 = tpu.memref_slice %arg8[%dma_start3A_16] : memref<512xi32, #tpu.memory_space<vmem>> -> memref<256xi32, #tpu.memory_space<vmem>>
    %dma_start3A_18 = arith.constant 0 : i32
    %dma_start3A_19 = arith.constant 0 : i32
    %dma_start3A_20 = tpu.memref_slice %arg2[%dma_start3A_18, %dma_start3A_19] : memref<100000x128xf32, #tpu.memory_space<hbm>> -> memref<100000x128xf32, #tpu.memory_space<hbm>>
    tpu.enqueue_indirect_dma source(%dma_start3A_20 : memref<100000x128xf32, #tpu.memory_space<hbm>>) target(%arg9 : memref<256x128xf32, #tpu.memory_space<vmem>>) offsets(%dma_start3A_17 : memref<256xi32, #tpu.memory_space<vmem>>) semaphore(%arg11 : memref<!tpu.dma_semaphore, #tpu.memory_space<semaphore_mem>>)
    %dma_wait3A_21 = arith.constant 256 : i32
    %dma_wait3A_22 = tpu.memref_slice %arg7[%dma_wait3A_21] : memref<512xi32, #tpu.memory_space<vmem>> -> memref<256xi32, #tpu.memory_space<vmem>>
    %dma_wait3A_23 = arith.constant 0 : i32
    %dma_wait3A_24 = arith.constant 0 : i32
    %dma_wait3A_25 = tpu.memref_slice %arg2[%dma_wait3A_23, %dma_wait3A_24] : memref<100000x128xf32, #tpu.memory_space<hbm>> -> memref<100000x128xf32, #tpu.memory_space<hbm>>
    tpu.wait_indirect_dma semaphore(%arg12 : memref<!tpu.dma_semaphore, #tpu.memory_space<semaphore_mem>>) src(%dma_wait3A_25 : memref<100000x128xf32, #tpu.memory_space<hbm>>) dst(%arg10 : memref<256x128xf32, #tpu.memory_space<vmem>>)
    %add3A_26 = arith.constant 256 : i32
    %add3A_27 = arith.addi %mul3A_2, %add3A_26 : i32
    "tpu.region"() ({
      %run_scoped3A = tpu.sem_alloc : memref<!tpu.dma_semaphore, #tpu.memory_space<semaphore_mem>>
      %dma_start3A_45 = arith.constant 0 : i32
      %dma_start3A_46 = tpu.memref_slice %arg5[%add3A_27, %dma_start3A_45] : memref<16384x128xf32, #tpu.memory_space<hbm>> -> memref<256x128xf32, #tpu.memory_space<hbm>>
      %dma_start3A_47 = arith.constant 0 : i32
      %dma_start3A_48 = tpu.memref_slice %arg5[%add3A_27, %dma_start3A_47] : memref<16384x128xf32, #tpu.memory_space<hbm>> -> memref<256x128xf32, #tpu.memory_space<hbm>>
      tpu.enqueue_dma source(%arg10 : memref<256x128xf32, #tpu.memory_space<vmem>>) target(%dma_start3A_48 : memref<256x128xf32, #tpu.memory_space<hbm>>) target_semaphore(%run_scoped3A : memref<!tpu.dma_semaphore, #tpu.memory_space<semaphore_mem>>)
      %dma_wait3A_49 = arith.constant 0 : i32
      %dma_wait3A_50 = tpu.memref_slice %arg5[%add3A_27, %dma_wait3A_49] : memref<16384x128xf32, #tpu.memory_space<hbm>> -> memref<256x128xf32, #tpu.memory_space<hbm>>
      %dma_wait3A_51 = arith.constant 0 : i32
      %dma_wait3A_52 = tpu.memref_slice %arg5[%add3A_27, %dma_wait3A_51] : memref<16384x128xf32, #tpu.memory_space<hbm>> -> memref<256x128xf32, #tpu.memory_space<hbm>>
      tpu.wait_dma2 semaphore(%run_scoped3A : memref<!tpu.dma_semaphore, #tpu.memory_space<semaphore_mem>>) src(%arg10 : memref<256x128xf32, #tpu.memory_space<vmem>>) dst(%dma_wait3A_52 : memref<256x128xf32, #tpu.memory_space<hbm>>)
      tpu.yield
    }) : () -> ()
    %dma_start3A_28 = arith.constant 256 : i32
    %dma_start3A_29 = tpu.memref_slice %arg8[%dma_start3A_28] : memref<512xi32, #tpu.memory_space<vmem>> -> memref<256xi32, #tpu.memory_space<vmem>>
    %dma_start3A_30 = arith.constant 0 : i32
    %dma_start3A_31 = arith.constant 0 : i32
    %dma_start3A_32 = tpu.memref_slice %arg2[%dma_start3A_30, %dma_start3A_31] : memref<100000x128xf32, #tpu.memory_space<hbm>> -> memref<100000x128xf32, #tpu.memory_space<hbm>>
    tpu.enqueue_indirect_dma source(%dma_start3A_32 : memref<100000x128xf32, #tpu.memory_space<hbm>>) target(%arg10 : memref<256x128xf32, #tpu.memory_space<vmem>>) offsets(%dma_start3A_29 : memref<256xi32, #tpu.memory_space<vmem>>) semaphore(%arg12 : memref<!tpu.dma_semaphore, #tpu.memory_space<semaphore_mem>>)
    %dma_wait3A_33 = arith.constant 0 : i32
    %dma_wait3A_34 = tpu.memref_slice %arg8[%dma_wait3A_33] : memref<512xi32, #tpu.memory_space<vmem>> -> memref<256xi32, #tpu.memory_space<vmem>>
    %dma_wait3A_35 = arith.constant 0 : i32
    %dma_wait3A_36 = arith.constant 0 : i32
    %dma_wait3A_37 = tpu.memref_slice %arg2[%dma_wait3A_35, %dma_wait3A_36] : memref<100000x128xf32, #tpu.memory_space<hbm>> -> memref<100000x128xf32, #tpu.memory_space<hbm>>
    tpu.wait_indirect_dma semaphore(%arg11 : memref<!tpu.dma_semaphore, #tpu.memory_space<semaphore_mem>>) src(%dma_wait3A_37 : memref<100000x128xf32, #tpu.memory_space<hbm>>) dst(%arg9 : memref<256x128xf32, #tpu.memory_space<vmem>>)
    "tpu.region"() ({
      %run_scoped3A = tpu.sem_alloc : memref<!tpu.dma_semaphore, #tpu.memory_space<semaphore_mem>>
      %dma_start3A_45 = arith.constant 0 : i32
      %dma_start3A_46 = tpu.memref_slice %arg6[%mul3A_2, %dma_start3A_45] : memref<16384x128xf32, #tpu.memory_space<hbm>> -> memref<256x128xf32, #tpu.memory_space<hbm>>
      %dma_start3A_47 = arith.constant 0 : i32
      %dma_start3A_48 = tpu.memref_slice %arg6[%mul3A_2, %dma_start3A_47] : memref<16384x128xf32, #tpu.memory_space<hbm>> -> memref<256x128xf32, #tpu.memory_space<hbm>>
      tpu.enqueue_dma source(%arg9 : memref<256x128xf32, #tpu.memory_space<vmem>>) target(%dma_start3A_48 : memref<256x128xf32, #tpu.memory_space<hbm>>) target_semaphore(%run_scoped3A : memref<!tpu.dma_semaphore, #tpu.memory_space<semaphore_mem>>)
      %dma_wait3A_49 = arith.constant 0 : i32
      %dma_wait3A_50 = tpu.memref_slice %arg6[%mul3A_2, %dma_wait3A_49] : memref<16384x128xf32, #tpu.memory_space<hbm>> -> memref<256x128xf32, #tpu.memory_space<hbm>>
      %dma_wait3A_51 = arith.constant 0 : i32
      %dma_wait3A_52 = tpu.memref_slice %arg6[%mul3A_2, %dma_wait3A_51] : memref<16384x128xf32, #tpu.memory_space<hbm>> -> memref<256x128xf32, #tpu.memory_space<hbm>>
      tpu.wait_dma2 semaphore(%run_scoped3A : memref<!tpu.dma_semaphore, #tpu.memory_space<semaphore_mem>>) src(%arg9 : memref<256x128xf32, #tpu.memory_space<vmem>>) dst(%dma_wait3A_52 : memref<256x128xf32, #tpu.memory_space<hbm>>)
      tpu.yield
    }) : () -> ()
    %dma_wait3A_38 = arith.constant 256 : i32
    %dma_wait3A_39 = tpu.memref_slice %arg8[%dma_wait3A_38] : memref<512xi32, #tpu.memory_space<vmem>> -> memref<256xi32, #tpu.memory_space<vmem>>
    %dma_wait3A_40 = arith.constant 0 : i32
    %dma_wait3A_41 = arith.constant 0 : i32
    %dma_wait3A_42 = tpu.memref_slice %arg2[%dma_wait3A_40, %dma_wait3A_41] : memref<100000x128xf32, #tpu.memory_space<hbm>> -> memref<100000x128xf32, #tpu.memory_space<hbm>>
    tpu.wait_indirect_dma semaphore(%arg12 : memref<!tpu.dma_semaphore, #tpu.memory_space<semaphore_mem>>) src(%dma_wait3A_42 : memref<100000x128xf32, #tpu.memory_space<hbm>>) dst(%arg10 : memref<256x128xf32, #tpu.memory_space<vmem>>)
    %add3A_43 = arith.constant 256 : i32
    %add3A_44 = arith.addi %mul3A_2, %add3A_43 : i32
    "tpu.region"() ({
      %run_scoped3A = tpu.sem_alloc : memref<!tpu.dma_semaphore, #tpu.memory_space<semaphore_mem>>
      %dma_start3A_45 = arith.constant 0 : i32
      %dma_start3A_46 = tpu.memref_slice %arg6[%add3A_44, %dma_start3A_45] : memref<16384x128xf32, #tpu.memory_space<hbm>> -> memref<256x128xf32, #tpu.memory_space<hbm>>
      %dma_start3A_47 = arith.constant 0 : i32
      %dma_start3A_48 = tpu.memref_slice %arg6[%add3A_44, %dma_start3A_47] : memref<16384x128xf32, #tpu.memory_space<hbm>> -> memref<256x128xf32, #tpu.memory_space<hbm>>
      tpu.enqueue_dma source(%arg10 : memref<256x128xf32, #tpu.memory_space<vmem>>) target(%dma_start3A_48 : memref<256x128xf32, #tpu.memory_space<hbm>>) target_semaphore(%run_scoped3A : memref<!tpu.dma_semaphore, #tpu.memory_space<semaphore_mem>>)
      %dma_wait3A_49 = arith.constant 0 : i32
      %dma_wait3A_50 = tpu.memref_slice %arg6[%add3A_44, %dma_wait3A_49] : memref<16384x128xf32, #tpu.memory_space<hbm>> -> memref<256x128xf32, #tpu.memory_space<hbm>>
      %dma_wait3A_51 = arith.constant 0 : i32
      %dma_wait3A_52 = tpu.memref_slice %arg6[%add3A_44, %dma_wait3A_51] : memref<16384x128xf32, #tpu.memory_space<hbm>> -> memref<256x128xf32, #tpu.memory_space<hbm>>
      tpu.wait_dma2 semaphore(%run_scoped3A : memref<!tpu.dma_semaphore, #tpu.memory_space<semaphore_mem>>) src(%arg10 : memref<256x128xf32, #tpu.memory_space<vmem>>) dst(%dma_wait3A_52 : memref<256x128xf32, #tpu.memory_space<hbm>>)
      tpu.yield
    }) : () -> ()
    return
  }
}

module attributes {stable_mosaic.version = 14 : i64} {
  func.func @_repack_body(%arg0: i32, %arg1: memref<16x8192xf32, #tpu.memory_space<vmem>>, %arg2: memref<16x8192xf32, #tpu.memory_space<vmem>>, %arg3: memref<32x8192xf32, #tpu.memory_space<vmem>>, %arg4: memref<32x8192xf32, #tpu.memory_space<vmem>>, %arg5: memref<8192x128xf32, #tpu.memory_space<vmem>>) attributes {dimension_semantics = [#tpu.dimension_semantics<arbitrary>], iteration_bounds = array<i64: 13>, scalar_prefetch = 0 : i64, scratch_operands = 0 : i64, tpu.core_type = #tpu.core_type<tc>, window_params = [{transform_indices = @transform_0, window_bounds = array<i64: 16, 8192>}, {transform_indices = @transform_1, window_bounds = array<i64: 16, 8192>}, {transform_indices = @transform_2, window_bounds = array<i64: 32, 8192>}, {transform_indices = @transform_3, window_bounds = array<i64: 32, 8192>}, {transform_indices = @transform_4, window_bounds = array<i64: 8192, 128>}]} {
    %get3A = arith.constant 0 : index
    %get3A_0 = arith.constant 0 : index
    %get3A_1 = vector.load %arg1[%get3A, %get3A_0] : memref<16x8192xf32, #tpu.memory_space<vmem>>, vector<16x8192xf32>
    %get3A_2 = arith.constant 0 : index
    %get3A_3 = arith.constant 0 : index
    %get3A_4 = vector.load %arg2[%get3A_2, %get3A_3] : memref<16x8192xf32, #tpu.memory_space<vmem>>, vector<16x8192xf32>
    %get3A_5 = arith.constant 0 : index
    %get3A_6 = arith.constant 0 : index
    %get3A_7 = vector.load %arg3[%get3A_5, %get3A_6] : memref<32x8192xf32, #tpu.memory_space<vmem>>, vector<32x8192xf32>
    %get3A_8 = arith.constant 0 : index
    %get3A_9 = arith.constant 0 : index
    %get3A_10 = vector.load %arg4[%get3A_8, %get3A_9] : memref<32x8192xf32, #tpu.memory_space<vmem>>, vector<32x8192xf32>
    %concatenate3A = tpu.concatenate %get3A_1, %get3A_4, %get3A_7, %get3A_10 in 0 : vector<16x8192xf32>, vector<16x8192xf32>, vector<32x8192xf32>, vector<32x8192xf32> -> vector<96x8192xf32>
    %transpose3A = tpu.transpose %concatenate3A, [1, 0] : vector<96x8192xf32> -> vector<8192x96xf32>
    %swap3A = arith.constant 0 : index
    %swap3A_11 = arith.constant 0 : index
    %swap3A_12 = vector.load %arg5[%swap3A, %swap3A_11] : memref<8192x128xf32, #tpu.memory_space<vmem>>, vector<8192x96xf32>
    tpu.vector_store %arg5[%swap3A, %swap3A_11], %transpose3A {strides = array<i32>} : memref<8192x128xf32, #tpu.memory_space<vmem>>, vector<8192x96xf32>,
    return
  }
  func.func @transform_0(%arg0: i32) -> (i32, i32) {
    %c0_i32 = arith.constant 0 : i32
    %c0_i32_0 = arith.constant 0 : i32
    return %c0_i32, %arg0 : i32, i32
  }
  func.func @transform_1(%arg0: i32) -> (i32, i32) {
    %c0_i32 = arith.constant 0 : i32
    %c0_i32_0 = arith.constant 0 : i32
    return %c0_i32, %arg0 : i32, i32
  }
  func.func @transform_2(%arg0: i32) -> (i32, i32) {
    %c0_i32 = arith.constant 0 : i32
    %c0_i32_0 = arith.constant 0 : i32
    return %c0_i32, %arg0 : i32, i32
  }
  func.func @transform_3(%arg0: i32) -> (i32, i32) {
    %c0_i32 = arith.constant 0 : i32
    %c0_i32_0 = arith.constant 0 : i32
    return %c0_i32, %arg0 : i32, i32
  }
  func.func @transform_4(%arg0: i32) -> (i32, i32) {
    %c0_i32 = arith.constant 0 : i32
    %c0_i32_0 = arith.constant 0 : i32
    return %arg0, %c0_i32 : i32, i32
  }
}

module attributes {stable_mosaic.version = 14 : i64} {
  func.func @_text_body(%arg0: i32, %arg1: memref<50x8192xf32, #tpu.memory_space<vmem>>, %arg2: memref<16x50xf32, #tpu.memory_space<vmem>>, %arg3: memref<1x16xf32, #tpu.memory_space<vmem>>, %arg4: memref<16x8192xf32, #tpu.memory_space<vmem>>) attributes {dimension_semantics = [#tpu.dimension_semantics<arbitrary>], iteration_bounds = array<i64: 2>, scalar_prefetch = 0 : i64, scratch_operands = 0 : i64, tpu.core_type = #tpu.core_type<tc>, window_params = [{transform_indices = @transform_0, window_bounds = array<i64: 50, 8192>}, {pipeline_mode = #tpu.pipeline_mode<synchronous>, transform_indices = @transform_1, window_bounds = array<i64: 16, 50>}, {pipeline_mode = #tpu.pipeline_mode<synchronous>, transform_indices = @transform_2, window_bounds = array<i64: 1, 16>}, {transform_indices = @transform_3, window_bounds = array<i64: 16, 8192>}]} {
    %get3A = arith.constant 0 : index
    %get3A_0 = arith.constant 0 : index
    %get3A_1 = vector.load %arg2[%get3A, %get3A_0] : memref<16x50xf32, #tpu.memory_space<vmem>>, vector<16x50xf32>
    %convert_element_type3A = arith.truncf %get3A_1 : vector<16x50xf32> to vector<16x50xbf16>
    %get3A_2 = arith.constant 0 : index
    %get3A_3 = arith.constant 0 : index
    %get3A_4 = vector.load %arg1[%get3A_2, %get3A_3] : memref<50x8192xf32, #tpu.memory_space<vmem>>, vector<50x8192xf32>
    %convert_element_type3A_5 = arith.truncf %get3A_4 : vector<50x8192xf32> to vector<50x8192xbf16>
    %dot_general3A = arith.constant dense<0.000000e+00> : vector<16x8192xf32>
    %dot_general3A_6 = tpu.matmul %convert_element_type3A, %convert_element_type3A_5, %dot_general3A {dimension_numbers = #tpu.dot_dimension_numbers<[1], [0], [0], [1], [0, 0, 1, 1], [], []>, transpose_lhs_hint = false} : vector<16x50xbf16>, vector<50x8192xbf16>, vector<16x8192xf32> -> vector<16x8192xf32>
    %get3A_7 = arith.constant 0 : index
    %get3A_8 = arith.constant 0 : index
    %get3A_9 = vector.load %arg3[%get3A_7, %get3A_8] : memref<1x16xf32, #tpu.memory_space<vmem>>, vector<1x16xf32>
    %transpose3A = tpu.transpose %get3A_9, [1, 0] : vector<1x16xf32> -> vector<16x1xf32>
    %add3A = vector.broadcast %transpose3A : vector<16x1xf32> to vector<16x8192xf32>
    %add3A_10 = arith.addf %dot_general3A_6, %add3A : vector<16x8192xf32>
    %max3A = arith.constant 0.000000e+00 : f32
    %max3A_11 = vector.broadcast %max3A : f32 to vector<16x8192xf32>
    %max3A_12 = arith.maximumf %add3A_10, %max3A_11 : vector<16x8192xf32>
    %swap3A = arith.constant 0 : index
    %swap3A_13 = arith.constant 0 : index
    %swap3A_14 = vector.load %arg4[%swap3A, %swap3A_13] : memref<16x8192xf32, #tpu.memory_space<vmem>>, vector<16x8192xf32>
    tpu.vector_store %arg4[%swap3A, %swap3A_13], %max3A_12 {strides = array<i32>} : memref<16x8192xf32, #tpu.memory_space<vmem>>, vector<16x8192xf32>,
    return
  }
  func.func @transform_0(%arg0: i32) -> (i32, i32) {
    %c0_i32 = arith.constant 0 : i32
    %c0_i32_0 = arith.constant 0 : i32
    return %c0_i32, %arg0 : i32, i32
  }
  func.func @transform_1(%arg0: i32) -> (i32, i32) {
    %c0_i32 = arith.constant 0 : i32
    %c0_i32_0 = arith.constant 0 : i32
    %c0_i32_1 = arith.constant 0 : i32
    return %c0_i32, %c0_i32_0 : i32, i32
  }
  func.func @transform_2(%arg0: i32) -> (i32, i32) {
    %c0_i32 = arith.constant 0 : i32
    %c0_i32_0 = arith.constant 0 : i32
    %c0_i32_1 = arith.constant 0 : i32
    return %c0_i32, %c0_i32_0 : i32, i32
  }
  func.func @transform_3(%arg0: i32) -> (i32, i32) {
    %c0_i32 = arith.constant 0 : i32
    %c0_i32_0 = arith.constant 0 : i32
    return %c0_i32, %arg0 : i32, i32
  }
}

module attributes {stable_mosaic.version = 14 : i64} {
  func.func @_dense_body(%arg0: i32, %arg1: memref<2048x128xf32, #tpu.memory_space<vmem>>, %arg2: memref<2048x128xf32, #tpu.memory_space<vmem>>, %arg3: memref<16x2048xf32, #tpu.memory_space<vmem>>, %arg4: memref<32x80xf32, #tpu.memory_space<vmem>>, %arg5: memref<1x32xf32, #tpu.memory_space<vmem>>, %arg6: memref<16x32xf32, #tpu.memory_space<vmem>>, %arg7: memref<1x16xf32, #tpu.memory_space<vmem>>, %arg8: memref<1x32xf32, #tpu.memory_space<vmem>>, %arg9: memref<1x1xf32, #tpu.memory_space<vmem>>, %arg10: memref<16x128xf32, #tpu.memory_space<vmem>>) attributes {dimension_semantics = [#tpu.dimension_semantics<arbitrary>], iteration_bounds = array<i64: 8>, scalar_prefetch = 0 : i64, scratch_operands = 0 : i64, tpu.core_type = #tpu.core_type<tc>, window_params = [{transform_indices = @transform_0, window_bounds = array<i64: 2048, 128>}, {transform_indices = @transform_1, window_bounds = array<i64: 2048, 128>}, {transform_indices = @transform_2, window_bounds = array<i64: 16, 2048>}, {pipeline_mode = #tpu.pipeline_mode<synchronous>, transform_indices = @transform_3, window_bounds = array<i64: 32, 80>}, {pipeline_mode = #tpu.pipeline_mode<synchronous>, transform_indices = @transform_4, window_bounds = array<i64: 1, 32>}, {pipeline_mode = #tpu.pipeline_mode<synchronous>, transform_indices = @transform_5, window_bounds = array<i64: 16, 32>}, {pipeline_mode = #tpu.pipeline_mode<synchronous>, transform_indices = @transform_6, window_bounds = array<i64: 1, 16>}, {pipeline_mode = #tpu.pipeline_mode<synchronous>, transform_indices = @transform_7, window_bounds = array<i64: 1, 32>}, {pipeline_mode = #tpu.pipeline_mode<synchronous>, transform_indices = @transform_8, window_bounds = array<i64: 1, 1>}, {transform_indices = @transform_9, window_bounds = array<i64: 16, 128>}]} {
    %get3A = arith.constant 0 : index
    %get3A_0 = arith.constant 32 : index
    %get3A_1 = vector.load %arg1[%get3A, %get3A_0] : memref<2048x128xf32, #tpu.memory_space<vmem>>, vector<2048x32xf32>
    %get3A_2 = arith.constant 0 : index
    %get3A_3 = arith.constant 64 : index
    %get3A_4 = vector.load %arg2[%get3A_2, %get3A_3] : memref<2048x128xf32, #tpu.memory_space<vmem>>, vector<2048x32xf32>
    %get3A_5 = arith.constant 0 : index
    %get3A_6 = arith.constant 0 : index
    %get3A_7 = vector.load %arg4[%get3A_5, %get3A_6] : memref<32x80xf32, #tpu.memory_space<vmem>>, vector<32x32xf32>
    %convert_element_type3A = arith.truncf %get3A_1 : vector<2048x32xf32> to vector<2048x32xbf16>
    %convert_element_type3A_8 = arith.truncf %get3A_7 : vector<32x32xf32> to vector<32x32xbf16>
    %dot_general3A = arith.constant dense<0.000000e+00> : vector<2048x32xf32>
    %dot_general3A_9 = tpu.matmul %convert_element_type3A, %convert_element_type3A_8, %dot_general3A {dimension_numbers = #tpu.dot_dimension_numbers<[1], [1], [0], [0], [0, 0, 1, 0], [], []>, transpose_lhs_hint = false} : vector<2048x32xbf16>, vector<32x32xbf16>, vector<2048x32xf32> -> vector<2048x32xf32>
    %get3A_10 = arith.constant 0 : index
    %get3A_11 = arith.constant 32 : index
    %get3A_12 = vector.load %arg4[%get3A_10, %get3A_11] : memref<32x80xf32, #tpu.memory_space<vmem>>, vector<32x32xf32>
    %convert_element_type3A_13 = arith.truncf %get3A_4 : vector<2048x32xf32> to vector<2048x32xbf16>
    %convert_element_type3A_14 = arith.truncf %get3A_12 : vector<32x32xf32> to vector<32x32xbf16>
    %dot_general3A_15 = arith.constant dense<0.000000e+00> : vector<2048x32xf32>
    %dot_general3A_16 = tpu.matmul %convert_element_type3A_13, %convert_element_type3A_14, %dot_general3A_15 {dimension_numbers = #tpu.dot_dimension_numbers<[1], [1], [0], [0], [0, 0, 1, 0], [], []>, transpose_lhs_hint = false} : vector<2048x32xbf16>, vector<32x32xbf16>, vector<2048x32xf32> -> vector<2048x32xf32>
    %add3A = arith.addf %dot_general3A_9, %dot_general3A_16 : vector<2048x32xf32>
    %get3A_17 = arith.constant 0 : index
    %get3A_18 = arith.constant 0 : index
    %get3A_19 = vector.load %arg3[%get3A_17, %get3A_18] : memref<16x2048xf32, #tpu.memory_space<vmem>>, vector<16x2048xf32>
    %convert_element_type3A_20 = arith.truncf %get3A_19 : vector<16x2048xf32> to vector<16x2048xbf16>
    %get3A_21 = arith.constant 0 : index
    %get3A_22 = arith.constant 64 : index
    %get3A_23 = vector.load %arg4[%get3A_21, %get3A_22] : memref<32x80xf32, #tpu.memory_space<vmem>>, vector<32x16xf32>
    %convert_element_type3A_24 = arith.truncf %get3A_23 : vector<32x16xf32> to vector<32x16xbf16>
    %dot_general3A_25 = arith.constant dense<0.000000e+00> : vector<2048x32xf32>
    %dot_general3A_26 = tpu.matmul %convert_element_type3A_20, %convert_element_type3A_24, %dot_general3A_25 {dimension_numbers = #tpu.dot_dimension_numbers<[0], [1], [1], [0], [0, 1, 1, 0], [], []>, transpose_lhs_hint = true} : vector<16x2048xbf16>, vector<32x16xbf16>, vector<2048x32xf32> -> vector<2048x32xf32>
    %add3A_27 = arith.addf %add3A, %dot_general3A_26 : vector<2048x32xf32>
    %get3A_28 = arith.constant 0 : index
    %get3A_29 = arith.constant 0 : index
    %get3A_30 = vector.load %arg5[%get3A_28, %get3A_29] : memref<1x32xf32, #tpu.memory_space<vmem>>, vector<1x32xf32>
    %add3A_31 = vector.broadcast %get3A_30 : vector<1x32xf32> to vector<2048x32xf32>
    %add3A_32 = arith.addf %add3A_27, %add3A_31 : vector<2048x32xf32>
    %max3A = arith.constant 0.000000e+00 : f32
    %max3A_33 = vector.broadcast %max3A : f32 to vector<2048x32xf32>
    %max3A_34 = arith.maximumf %add3A_32, %max3A_33 : vector<2048x32xf32>
    %get3A_35 = arith.constant 0 : index
    %get3A_36 = arith.constant 0 : index
    %get3A_37 = vector.load %arg6[%get3A_35, %get3A_36] : memref<16x32xf32, #tpu.memory_space<vmem>>, vector<16x32xf32>
    %convert_element_type3A_38 = arith.truncf %max3A_34 : vector<2048x32xf32> to vector<2048x32xbf16>
    %convert_element_type3A_39 = arith.truncf %get3A_37 : vector<16x32xf32> to vector<16x32xbf16>
    %dot_general3A_40 = arith.constant dense<0.000000e+00> : vector<2048x16xf32>
    %dot_general3A_41 = tpu.matmul %convert_element_type3A_38, %convert_element_type3A_39, %dot_general3A_40 {dimension_numbers = #tpu.dot_dimension_numbers<[1], [1], [0], [0], [0, 0, 1, 0], [], []>, transpose_lhs_hint = false} : vector<2048x32xbf16>, vector<16x32xbf16>, vector<2048x16xf32> -> vector<2048x16xf32>
    %get3A_42 = arith.constant 0 : index
    %get3A_43 = arith.constant 0 : index
    %get3A_44 = vector.load %arg7[%get3A_42, %get3A_43] : memref<1x16xf32, #tpu.memory_space<vmem>>, vector<1x16xf32>
    %add3A_45 = vector.broadcast %get3A_44 : vector<1x16xf32> to vector<2048x16xf32>
    %add3A_46 = arith.addf %dot_general3A_41, %add3A_45 : vector<2048x16xf32>
    %max3A_47 = arith.constant 0.000000e+00 : f32
    %max3A_48 = vector.broadcast %max3A_47 : f32 to vector<2048x16xf32>
    %max3A_49 = arith.maximumf %add3A_46, %max3A_48 : vector<2048x16xf32>
    %get3A_50 = arith.constant 0 : index
    %get3A_51 = arith.constant 0 : index
    %get3A_52 = vector.load %arg1[%get3A_50, %get3A_51] : memref<2048x128xf32, #tpu.memory_space<vmem>>, vector<2048x16xf32>
    %get3A_53 = arith.constant 0 : index
    %get3A_54 = arith.constant 16 : index
    %get3A_55 = vector.load %arg2[%get3A_53, %get3A_54] : memref<2048x128xf32, #tpu.memory_space<vmem>>, vector<2048x16xf32>
    %mul3A = arith.mulf %get3A_52, %get3A_55 : vector<2048x16xf32>
    %get3A_56 = arith.constant 0 : index
    %get3A_57 = arith.constant 0 : index
    %get3A_58 = vector.load %arg8[%get3A_56, %get3A_57] : memref<1x32xf32, #tpu.memory_space<vmem>>, vector<1x16xf32>
    %mul3A_59 = vector.broadcast %get3A_58 : vector<1x16xf32> to vector<2048x16xf32>
    %mul3A_60 = arith.mulf %mul3A, %mul3A_59 : vector<2048x16xf32>
    %get3A_61 = arith.constant 0 : index
    %get3A_62 = arith.constant 16 : index
    %get3A_63 = vector.load %arg8[%get3A_61, %get3A_62] : memref<1x32xf32, #tpu.memory_space<vmem>>, vector<1x16xf32>
    %mul3A_64 = vector.broadcast %get3A_63 : vector<1x16xf32> to vector<2048x16xf32>
    %mul3A_65 = arith.mulf %max3A_49, %mul3A_64 : vector<2048x16xf32>
    %add3A_66 = arith.addf %mul3A_60, %mul3A_65 : vector<2048x16xf32>
    %reduce_sum3A = arith.constant dense<0.000000e+00> : vector<2048xf32>
    %reduce_sum3A_67 = vector.multi_reduction <add>, %add3A_66, %reduce_sum3A [1] : vector<2048x16xf32> to vector<2048xf32>
    %get3A_68 = arith.constant 0 : index
    %get3A_69 = arith.constant 0 : index
    %get3A_70 = vector.load %arg9[%get3A_68, %get3A_69] : memref<1x1xf32, #tpu.memory_space<vmem>>, vector<1x1xf32>
    %get3A_71 = vector.extract %get3A_70[0, 0] : f32 from vector<1x1xf32>
    %add3A_72 = vector.broadcast %get3A_71 : f32 to vector<2048xf32>
    %add3A_73 = arith.addf %reduce_sum3A_67, %add3A_72 : vector<2048xf32>
    %logistic3A = arith.negf %add3A_73 : vector<2048xf32>
    %logistic3A_74 = math.exp %logistic3A : vector<2048xf32>
    %logistic3A_75 = arith.constant 1.000000e+00 : f32
    %logistic3A_76 = vector.broadcast %logistic3A_75 : f32 to vector<2048xf32>
    %logistic3A_77 = arith.addf %logistic3A_76, %logistic3A_74 : vector<2048xf32>
    %logistic3A_78 = arith.divf %logistic3A_76, %logistic3A_77 : vector<2048xf32>
    %reshape3A = vector.shape_cast %logistic3A_78 : vector<2048xf32> to vector<16x128xf32>
    %swap3A = arith.constant 0 : index
    %swap3A_79 = arith.constant 0 : index
    %swap3A_80 = vector.load %arg10[%swap3A, %swap3A_79] : memref<16x128xf32, #tpu.memory_space<vmem>>, vector<16x128xf32>
    tpu.vector_store %arg10[%swap3A, %swap3A_79], %reshape3A {strides = array<i32>} : memref<16x128xf32, #tpu.memory_space<vmem>>, vector<16x128xf32>,
    return
  }
  func.func @transform_0(%arg0: i32) -> (i32, i32) {
    %c0_i32 = arith.constant 0 : i32
    %c0_i32_0 = arith.constant 0 : i32
    return %arg0, %c0_i32 : i32, i32
  }
  func.func @transform_1(%arg0: i32) -> (i32, i32) {
    %c0_i32 = arith.constant 0 : i32
    %c0_i32_0 = arith.constant 0 : i32
    return %arg0, %c0_i32 : i32, i32
  }
  func.func @transform_2(%arg0: i32) -> (i32, i32) {
    %c0_i32 = arith.constant 0 : i32
    %c0_i32_0 = arith.constant 0 : i32
    return %c0_i32, %arg0 : i32, i32
  }
  func.func @transform_3(%arg0: i32) -> (i32, i32) {
    %c0_i32 = arith.constant 0 : i32
    %c0_i32_0 = arith.constant 0 : i32
    %c0_i32_1 = arith.constant 0 : i32
    return %c0_i32, %c0_i32_0 : i32, i32
  }
  func.func @transform_4(%arg0: i32) -> (i32, i32) {
    %c0_i32 = arith.constant 0 : i32
    %c0_i32_0 = arith.constant 0 : i32
    %c0_i32_1 = arith.constant 0 : i32
    return %c0_i32, %c0_i32_0 : i32, i32
  }
  func.func @transform_5(%arg0: i32) -> (i32, i32) {
    %c0_i32 = arith.constant 0 : i32
    %c0_i32_0 = arith.constant 0 : i32
    %c0_i32_1 = arith.constant 0 : i32
    return %c0_i32, %c0_i32_0 : i32, i32
  }
  func.func @transform_6(%arg0: i32) -> (i32, i32) {
    %c0_i32 = arith.constant 0 : i32
    %c0_i32_0 = arith.constant 0 : i32
    %c0_i32_1 = arith.constant 0 : i32
    return %c0_i32, %c0_i32_0 : i32, i32
  }
  func.func @transform_7(%arg0: i32) -> (i32, i32) {
    %c0_i32 = arith.constant 0 : i32
    %c0_i32_0 = arith.constant 0 : i32
    %c0_i32_1 = arith.constant 0 : i32
    return %c0_i32, %c0_i32_0 : i32, i32
  }
  func.func @transform_8(%arg0: i32) -> (i32, i32) {
    %c0_i32 = arith.constant 0 : i32
    %c0_i32_0 = arith.constant 0 : i32
    %c0_i32_1 = arith.constant 0 : i32
    return %c0_i32, %c0_i32_0 : i32, i32
  }
  func.func @transform_9(%arg0: i32) -> (i32, i32) {
    %c0_i32 = arith.constant 0 : i32
    %c0_i32_0 = arith.constant 0 : i32
    return %arg0, %c0_i32 : i32, i32
  }
}

</mosaic_0001>

<sc_bundles>
// kernel: kernel.6.cloned.1.call-start
scs
__scs_entry_jumppad:
0x0: {  	(pc) =	sbr.rel $0x88, $3  }
0x1: {  	(tag) =	ssettag $0x0;
	lr =	simm.s32 $0x1  }
0x2: {  	[smem:$0x3F92] =	sst lr;
	_ =	strace $0xD0000000  }
0x3: {  	_ = 	snop  }
0x4: {  	_ = 	snop  }
0x5: {  	_ = 	snop  }
0x6: {  	_ = 	snop  }
0x7: {  	_ = 	snop  }
__scs_overlays_trampoline_lowered:
0x8: {  	[smem:$0x3FA1] =	sst s0  }
0x9: {  	[smem:$0x3FA2] =	sst s1  }
0xa: {  	[smem:$0x3FA3] =	sst s2  }
0xb: {  	[smem:$0x3FA4] =	sst s3  }
0xc: {  	[smem:$0x3FA5] =	sst s4  }
0xd: {  	[smem:$0x3FA6] =	sst s5  }
0xe: {  	[smem:$0x3FA7] =	sst s6  }
0xf: {  	[smem:$0x3FA8] =	sst s7  }
0x10: {  	[smem:$0x3FA9] =	sst s8  }
0x11: {  	[smem:$0x3FAA] =	sst s9;
	s0 =	simm.s32 @!p0 $0x0  }
0x12: {  	s1 =	sld [smem:$0x3F90];
	s0 =	simm.s32 @p0 $0x1  }
0x13: {  	[smem:$0x3FAB] =	sst s0;
	s0 =	simm.s32 @!p1 $0x0  }
0x14: {  	s2 =	sld [smem:$0x3F8F];
	s0 =	simm.s32 @p1 $0x1  }
0x15: {  	[smem:$0x3FAC] =	sst s0;
	s0 =	simm.s32 @!p2 $0x0  }
0x16: {  	s3 =	sld [smem:$0x3FDB];
	s0 =	simm.s32 @p2 $0x1  }
0x17: {  	s4 =	simm.s32 $0x1BF5;
	[smem:$0x3FAE] =	sst s0  }
0x18: {  	s0 =	sld [smem:$0x3F91];
	_ =	swait.ge [sflag:s4], $0x0  }
0x19: {  	s7 =	sld [smem:$0x3F92]  }
0x1a: {  	s8 =	sadd.s32 $0xFFFFE003, lr  }
0x1b: {  	s9 =	sadd.s32 $0xFFFFFEF7, lr;
	s5 =	simm.s32 $0xFFFFFFFF;
	p2 =	slt.u32 s8, $0xFFFFF086  }
0x1c: {  	p1 =	slt.u32 s9, $0xF7A;
	s5 =	simm.s32 @!p2 $0x0  }
0x1d: {  	s5 =	simm.s32 @p1 $0x1;
	p0 =	seq.s32 s7, s2  }
0x1e: {  	s7 =	smul.u32 @!p0 $0xF7A, s2;
	p2 =	seq.s32 @!p0 s5, $0x0  }
0x1f: {  	s9 =	smul.u32 $0xF7A, s1;
	s8 =	simm.s32 @!p0 $0x1BF5;
	p2 =	por !p2, p0  }
0x20: {  	[sflag:s8] =	ssyncset.s32 @!p0 $0xFFFFF086;
	s6 =	sadd.s32 @!p0 s3, s7;
	s7 =	simm.s32 @!p0 $0x108  }
0x21: {  	s3 =	sadd.s32 s3, s9;
	s6 =	sadd.s32 @!p0 $0x88, s6;
	s7 =	simm.s32 @p2 $0x1082  }
0x22: {  	[simem:s7], [sflag:s8] =	dma.local @!p0 [hbm:s6], $0xF7A  }
0x23: {  	s9 =	sor.u32 $0xD0000000, s2;
	s6 =	simm.s32 $0x108;
	_ =	swait.ge @!p0 [sflag:s8], $0x0  }
0x24: {  	s3 =	sadd.s32 $0x88, s3;
	s6 =	simm.s32 @!p1 $0x1082;
	[sflag:s4] =	ssyncset.s32 $0xFFFFF086  }
0x25: {  	[simem:s6], [sflag:s4] =	dma.local [hbm:s3], $0xF7A  }
0x26: {  	[smem:$0x3F92] =	sst s1;
	(tag) =	ssettag s2;
	_ =	strace s9  }
0x27: {  	s1 =	sld [smem:$0x3FA2]  }
0x28: {  	s2 =	sld [smem:$0x3FA3]  }
0x29: {  	s4 =	sld [smem:$0x3FA5]  }
0x2a: {  	p0 =	seq.s32 s5, $0x0;
	s5 =	sld [smem:$0x3FA6]  }
0x2b: {  	s6 =	sld [smem:$0x3FA7]  }
0x2c: {  	s7 =	sld [smem:$0x3FA8]  }
0x2d: {  	s3 =	simm.s32 $0x108;
	s8 =	sld [smem:$0x3FA9]  }
0x2e: {  	s3 =	simm.s32 @!p0 $0x1082;
	s9 =	sld [smem:$0x3FAA]  }
0x2f: {  	lr =	sadd.s32 s0, s3;
	s0 =	sld [smem:$0x3FA1]  }
0x30: {  	s3 =	sld [smem:$0x3FA4]  }
0x31: {  	[smem:$0x3FAD] =	sst s10  }
0x32: {  	s10 =	sld [smem:$0x3FAB];
	_ =	sdelay $0x3  }
0x33: {  	p0 =	seq.s32 s10, $0x1;
	s10 =	sld [smem:$0x3FAD];
	_ =	sdelay $0x3  }
0x34: {  	[smem:$0x3FAD] =	sst s10  }
0x35: {  	s10 =	sld [smem:$0x3FAC];
	_ =	sdelay $0x3  }
0x36: {  	p1 =	seq.s32 s10, $0x1;
	s10 =	sld [smem:$0x3FAD];
	_ =	sdelay $0x3  }
0x37: {  	[smem:$0x3FAD] =	sst s10  }
0x38: {  	s10 =	sld [smem:$0x3FAE]  }
0x39: {  	_ = 	snop;
	(pc) =	sbr.ind lr, $3  }
0x3a: {  	_ = 	snop  }
0x3b: {  	_ = 	snop  }
0x3c: {  	p2 =	seq.s32 s10, $0x1;
	s10 =	sld [smem:$0x3FAD]  }
0x3d: {  	_ =	shalt  }
0x3e: {  	_ =	shalt  }
0x3f: {  	_ =	shalt  }
0x40: {  	_ =	shalt  }
0x41: {  	_ =	shalt  }
0x42: {  	_ =	shalt  }
0x43: {  	_ =	shalt  }
0x44: {  	_ =	shalt  }
0x45: {  	_ =	shalt  }
0x46: {  	_ =	shalt  }
0x47: {  	_ =	shalt  }
0x48: {  	_ =	shalt  }
0x49: {  	_ =	shalt  }
0x4a: {  	_ =	shalt  }
0x4b: {  	_ =	shalt  }
0x4c: {  	_ =	shalt  }
0x4d: {  	_ =	shalt  }
0x4e: {  	_ =	shalt  }
0x4f: {  	_ =	shalt  }
0x50: {  	_ =	shalt  }
0x51: {  	_ =	shalt  }
0x52: {  	_ =	shalt  }
0x53: {  	_ =	shalt  }
0x54: {  	_ =	shalt  }
0x55: {  	_ =	shalt  }
0x56: {  	_ =	shalt  }
0x57: {  	_ =	shalt  }
0x58: {  	_ =	shalt  }
0x59: {  	_ =	shalt  }
0x5a: {  	_ =	shalt  }
0x5b: {  	_ =	shalt  }
0x5c: {  	_ =	shalt  }
0x5d: {  	_ =	shalt  }
0x5e: {  	_ =	shalt  }
0x5f: {  	_ =	shalt  }
0x60: {  	_ =	shalt  }
0x61: {  	_ =	shalt  }
0x62: {  	_ =	shalt  }
0x63: {  	_ =	shalt  }
0x64: {  	_ =	shalt  }
0x65: {  	_ =	shalt  }
0x66: {  	_ =	shalt  }
0x67: {  	_ =	shalt  }
0x68: {  	_ =	shalt  }
0x69: {  	_ =	shalt  }
0x6a: {  	_ =	shalt  }
0x6b: {  	_ =	shalt  }
0x6c: {  	_ =	shalt  }
0x6d: {  	_ =	shalt  }
0x6e: {  	_ =	shalt  }
0x6f: {  	_ =	shalt  }
0x70: {  	_ =	shalt  }
0x71: {  	_ =	shalt  }
0x72: {  	_ =	shalt  }
0x73: {  	_ =	shalt  }
0x74: {  	_ =	shalt  }
0x75: {  	_ =	shalt  }
0x76: {  	_ =	shalt  }
0x77: {  	_ =	shalt  }
0x78: {  	_ =	shalt  }
0x79: {  	_ =	shalt  }
0x7a: {  	_ =	shalt  }
0x7b: {  	_ =	shalt  }
0x7c: {  	_ =	shalt  }
0x7d: {  	_ =	shalt  }
0x7e: {  	_ =	shalt  }
0x7f: {  	_ =	shalt  }
0x80: {  	_ =	shalt  }
0x81: {  	_ =	shalt  }
0x82: {  	_ =	shalt  }
0x83: {  	_ =	shalt  }
0x84: {  	_ =	shalt  }
0x85: {  	_ =	shalt  }
0x86: {  	_ =	shalt  }
0x87: {  	_ =	shalt  }
.Lfunc_end0:
.L_simem_size_0:
called_computation_lowered:
.L_overlay_start_0:
0x88: {  	s2 =	sld [smem:$0x3FD9]  }
0x89: {  	s3 =	sld [smem:$0x3FFE];
	_ =	sdelay $0x1  }
0x8a: {  	s1 =	srdreg.scid  }
0x8b: {  	s0 =	sand.u32 $0x1, s1  }
0x8c: {  	s17 =	sshll.u32 s0, $0xA;
	s2 =	sadd.s32 s3, s2  }
0x8d: {  	s2 =	sadd.s32 s2, s17  }
0x8e: {  	[smem:$0x3FB9] =	sst s2  }
0x8f: {  	_ = 	snop  }
0x90: {  	s2 =	sld [smem:$0x3FC9]  }
0x91: {  	s18 =	sld [smem:$0x3FC8];
	(tm) =	ssettm $0x1  }
0x92: {  	s4 =	sld [smem:$0x3FFB];
	_ =	sdelay $0x3  }
0x93: {  	_ =	strace s4  }
0x94: {  	s4 =	sld [smem:$0x3FFC];
	_ =	sdelay $0x3  }
0x95: {  	_ =	strace s4  }
0x96: {  	s4 =	sld [smem:$0x3FFD];
	_ =	sdelay $0x3  }
0x97: {  	_ =	strace s4  }
0x98: {  	_ =	strace $0x8FFFFFFF  }
0x99: {  	s19 =	sld [smem:$0x3FDB];
	_ =	sdelay $0x1  }
0x9a: {  	s5 =	simm.s32 $_scs_section_size  }
0x9b: {  	s6 =	simm.s32 $_size__tile_overlayer_lowered;
	s7 =	simm.s32 $_tile_overlayer_lowered  }
0x9c: {  	s22 =	simm.s32 $0x1BFF;
	s21 =	sshll.u32 s7, $0x1;
	s4 =	sadd.s32 s5, s19  }
0x9d: {  	s8 =	simm.s32 $0x0;
	s20 =	sshll.u32 s6, $0x1;
	s6 =	sadd.s32 s21, s4  }
0x9e: {  	[timem:s8], [sflag:s22] =	dma.local [hbm:s6], s20  }
0x9f: {  	_ =	swait.ge [sflag:s22], s20  }
0xa0: {  	s5 =	ssub.s32 $0x0, s20;
	[sflag:s22] =	ssyncset.done $0x0  }
0xa1: {  	[sflag:s22] =	ssyncadd.s32 s5;
	_ =	sdelay $0x1  }
0xa2: {  	s23 =	simm.s32 $0x1B8B  }
0xa3: {  	_ =	swait.ge [sflag:s23], $0x1  }
0xa4: {  	[sflag:s23] =	ssyncset.done $0x0  }
0xa5: {  	s25 =	simm.s32 $0x1B8E;
	s24 =	sld [smem:$0x3FFE];
	[sflag:s23] =	ssyncadd.s32 $0xFFFFFFFF  }
0xa6: {  	s26 =	simm.s32 $execute0_lowered;
	[smem:$0x3FD2] =	sst s25  }
0xa7: {  	s6 =	sshll.u32 s26, $0x1;
	_ =	strace $0x80000046;
	[dreg:$0x1] =	wrdreg $0xFFFFFFFF  }
0xa8: {  	s28 =	simm.s32 $_size_execute0_lowered;
	s4 =	sadd.s32 s4, s6;
	[dreg:$0x0] =	wrdreg $0x0  }
0xa9: {  	s6 =	sshll.u32 s28, $0x1;
	[dreg:$0x2] =	wrdreg s4  }
0xaa: {  	[dreg:$0x3] =	wrdreg s6  }
0xab: {  	[dreg:$0x4] =	wrdreg $0xC0  }
0xac: {  	_ =	task [dreg:s8], $0x5FFFF  }
0xad: {  	[dreg:$0x1] =	wrdreg $0xFFFFFFFF  }
0xae: {  	[dreg:$0x0] =	wrdreg $0x60  }
0xaf: {  	[dreg:$0x2] =	wrdreg s24  }
0xb0: {  	[dreg:$0x3] =	wrdreg s2  }
0xb1: {  	[dreg:$0x4] =	wrdreg s18  }
0xb2: {  	[dreg:$0x5] =	wrdreg $0x9  }
0xb3: {  	_ =	task.clear_ibuf [dreg:s8], $0x6FFFF;
	_ =	strace $0x90000046  }
0xb4: {  	s29 =	simm.s32 $0x9;
	_ =	strace $0x80000048  }
0xb5: {  	_ =	swait.ge [sflag:s29], $0x1  }
0xb6: {  	[sflag:s29] =	ssyncadd.s32 $0xFFFFFFFF  }
0xb7: {  	_ =	strace $0x90000048  }
0xb8: {  	_ =	sfence  }
0xb9: {  	s30 =	sld [smem:$0x0];
	_ =	sdelay $0x2  }
0xba: {  	s31 =	sshll.u32 s1, $0xD;
	s1 =	sshrl.u32 s1, $0x2  }
0xbb: {  	s3 =	sand.u32 $0x4000, s31;
	s1 =	sadd.s32 s1, s30  }
0xbc: {  	s0 =	sor.u32 s3, s0;
	s1 =	sshll.u32 s1, $0x11  }
0xbd: {  	s0 =	sor.u32 s1, s0  }
0xbe: {  	s0 =	sadd.s32 $0x8F2B, s0  }
0xbf: {  	[sflag:s0] =	ssyncadd.remote.s32 $0x1  }
0xc0: {  	_ =	sfence.sel $0xFFFF  }
0xc1: {  	[dreg:$0x0] =	wrdreg $0xFFFFFFFF;
	(pc) =	sbr.abs _section_cstart, $3  }
0xc2: {  	[dreg:$0x1] =	wrdreg $0xFFFFFFFF  }
0xc3: {  	_ =	task.clear_ibuf [dreg:s8], $0x2FFFF;
	_ =	strace $0x9FFFFFFF  }
0xc4: {  	(tm) =	ssettm $0x7FFFFFFF  }
0xc5: {  	_ =	shalt  }
tec
execute0_lowered:
.L_overlay_start_1:
0x0: {  	(tag) =	ssettag $0x1  }
0x1: {  	s16 =	rddreg [dreg:$0x0];
	s1 =	srdreg.scid  }
0x2: {  	s3 =	rddreg [dreg:$0x1];
	s0 =	stileid.u32;
	s17 =	sand.u32 $0x1, s1  }
0x3: {  	s5 =	rddreg [dreg:$0x2];
	s4 =	sshll.u32 s0, $0xA;
	s6 =	sshll.u32 s17, $0x9  }
0x4: {  	s2 =	simm.s32 $0x0;
	s1 =	rddreg [dreg:$0x3];
	s12 =	sor.u32 s6, s4  }
0x5: {  	[smem:$0x7FF] =	sst s2;
	s6 =	sshrl.u32 s12, $0x3  }
0x6: {  	_ =	strace $0x80000047;
	s4 =	sadd.s32 s3, s6;
	s3 =	simm.s32 $0x3  }
0x7: {  	[tilespmem:s2], [sflag:$0x3] =	stream.linear.gather [hbm4b:s4+s2], $0x200, $0x38;
	[tilespmem:$0x10400] =	vst v63  }
0x8: {  	_ =	swait.ge [sflag:s3], $0x200  }
0x9: {  	[sflag:s3] =	ssyncset.done $0x0  }
0xa: {  	s5 =	sadd.s32 s5, s6;
	s6 =	simm.s32 $0x200;
	[sflag:s3] =	ssyncadd.s32 $0xFFFFFE00  }
0xb: {  	[tilespmem:s6], [sflag:$0x3] =	stream.linear.gather [hbm4b:s5+s2], $0x200, $0x38;
	[tilespmem:$0x10400] =	vst v63  }
0xc: {  	_ =	swait.ge [sflag:s3], $0x200  }
0xd: {  	s8 =	simm.s32 $0x100;
	[sflag:s3] =	ssyncset.done $0x0  }
0xe: {  	s9 =	simm.s32 $0x400;
	s7 =	sadd.s32 $0x2000, s16;
	[sflag:s3] =	ssyncadd.s32 $0xFFFFFE00  }
0xf: {  	[tilespmem:s9], [sflag:$0x1] =	stream.indirect.gather [hbm4b:s7+s8], $0x80, s2, s8, $0xb8;
	[tilespmem:$0x10400] =	vst v63  }
0x10: {  	s10 =	simm.s32 $0x8400;
	s11 =	simm.s32 $0x1  }
0x11: {  	[tilespmem:s10], [sflag:$0x2] =	stream.indirect.gather [hbm4b:s7+s8], $0x80, s8, s8, $0xb8;
	[tilespmem:$0x10400] =	vst v63  }
0x12: {  	_ =	swait.ge [sflag:s11], $0x8000  }
0x13: {  	s14 =	sadd.s32 $0x188A00, s16;
	s18 =	sshll.u32 s12, $0x4;
	[sflag:s11] =	ssyncset.done $0x0  }
0x14: {  	s12 =	sadd.s32 s14, s18;
	[sflag:s11] =	ssyncadd.s32 $0xFFFF8000  }
0x15: {  	[hbm4b:s12+s2] =	stream.linear.scatter [tilespmem:s9], [sflag:$0x3], $0x8000, $0x38;
	[tilespmem:$0x10400] =	vst v63  }
0x16: {  	_ =	swait.ge [sflag:s3], $0x8000  }
0x17: {  	[sflag:s3] =	ssyncset.done $0x0  }
0x18: {  	s13 =	simm.s32 $0x2;
	[sflag:s3] =	ssyncadd.s32 $0xFFFF8000  }
0x19: {  	[tilespmem:s9], [sflag:$0x1] =	stream.indirect.gather [hbm4b:s7+s8], $0x80, s6, s8, $0xb8;
	[tilespmem:$0x10400] =	vst v63  }
0x1a: {  	_ =	swait.ge [sflag:s13], $0x8000  }
0x1b: {  	s19 =	sor.u32 $0x1000, s18;
	[sflag:s13] =	ssyncset.done $0x0  }
0x1c: {  	s14 =	sadd.s32 s14, s19;
	[sflag:s13] =	ssyncadd.s32 $0xFFFF8000  }
0x1d: {  	[hbm4b:s14+s2] =	stream.linear.scatter [tilespmem:s10], [sflag:$0x3], $0x8000, $0x38;
	[tilespmem:$0x10400] =	vst v63  }
0x1e: {  	_ =	swait.ge [sflag:s3], $0x8000  }
0x1f: {  	[sflag:s3] =	ssyncset.done $0x0  }
0x20: {  	s15 =	simm.s32 $0x300;
	[sflag:s3] =	ssyncadd.s32 $0xFFFF8000  }
0x21: {  	[tilespmem:s10], [sflag:$0x2] =	stream.indirect.gather [hbm4b:s7+s8], $0x80, s15, s8, $0xb8;
	[tilespmem:$0x10400] =	vst v63  }
0x22: {  	_ =	swait.ge [sflag:s11], $0x8000  }
0x23: {  	s20 =	sadd.s32 $0x1C8A00, s16;
	[sflag:s11] =	ssyncset.done $0x0  }
0x24: {  	s17 =	ssub.s32 $0x2, s17;
	s16 =	sadd.s32 s20, s18;
	[sflag:s11] =	ssyncadd.s32 $0xFFFF8000  }
0x25: {  	[hbm4b:s16+s2] =	stream.linear.scatter [tilespmem:s9], [sflag:$0x3], $0x8000, $0x38;
	[tilespmem:$0x10400] =	vst v63  }
0x26: {  	s31 =	sshrl.u32 s17, $0x1;
	_ =	swait.ge [sflag:s3], $0x8000  }
0x27: {  	s18 =	ssub.s32 s17, s31;
	[sflag:s3] =	ssyncset.done $0x0  }
0x28: {  	s18 =	smax.u32 s18, $0x1;
	[sflag:s3] =	ssyncadd.s32 $0xFFFF8000  }
0x29: {  	p0 =	sne.s32 s18, $0x1;
	_ =	swait.ge [sflag:s13], $0x8000  }
.Ltmp0:
0x2a: {  	[sflag:s13] =	ssyncset.done $0x0;
	(pc) =	sbr.rel @!p0 .LBB2_2-.Ltmp0, $4  }
0x2b: {  	s17 =	sadd.s32 s20, s19;
	[sflag:s13] =	ssyncadd.s32 $0xFFFF8000  }
0x2c: {  	[hbm4b:s17+s2] =	stream.linear.scatter [tilespmem:s10], [sflag:$0x3], $0x8000, $0x38;
	[tilespmem:$0x10400] =	vst v63  }
0x2d: {  	_ =	swait.ge [sflag:s3], $0x8000  }
0x2e: {  	s18 =	sadd.s32 $0xFFFFFFFF, s18;
	[sflag:s3] =	ssyncset.done $0x0  }
.LBB2_1:
0x2f: {  	p0 =	sne.s32 s18, $0x1;
	s18 =	sadd.s32 $0xFFFFFFFF, s18;
	[sflag:s3] =	ssyncadd.s32 $0xFFFF8000  }
0x30: {  	[tilespmem:s2], [sflag:$0x3] =	stream.linear.gather [hbm4b:s4+s2], $0x200, $0x38;
	[tilespmem:$0x10400] =	vst v63  }
0x31: {  	_ =	swait.ge [sflag:s3], $0x200  }
0x32: {  	[sflag:s3] =	ssyncset.done $0x0  }
0x33: {  	[sflag:s3] =	ssyncadd.s32 $0xFFFFFE00  }
0x34: {  	[tilespmem:s6], [sflag:$0x3] =	stream.linear.gather [hbm4b:s5+s2], $0x200, $0x38;
	[tilespmem:$0x10400] =	vst v63  }
0x35: {  	_ =	swait.ge [sflag:s3], $0x200  }
0x36: {  	[sflag:s3] =	ssyncset.done $0x0  }
0x37: {  	[sflag:s3] =	ssyncadd.s32 $0xFFFFFE00  }
0x38: {  	[tilespmem:s9], [sflag:$0x1] =	stream.indirect.gather [hbm4b:s7+s8], $0x80, s2, s8, $0xb8;
	[tilespmem:$0x10400] =	vst v63  }
0x39: {  	_ = 	snop  }
0x3a: {  	[tilespmem:s10], [sflag:$0x2] =	stream.indirect.gather [hbm4b:s7+s8], $0x80, s8, s8, $0xb8;
	[tilespmem:$0x10400] =	vst v63  }
0x3b: {  	_ =	swait.ge [sflag:s11], $0x8000  }
0x3c: {  	[sflag:s11] =	ssyncset.done $0x0  }
0x3d: {  	[sflag:s11] =	ssyncadd.s32 $0xFFFF8000  }
0x3e: {  	[hbm4b:s12+s2] =	stream.linear.scatter [tilespmem:s9], [sflag:$0x3], $0x8000, $0x38;
	[tilespmem:$0x10400] =	vst v63  }
0x3f: {  	_ =	swait.ge [sflag:s3], $0x8000  }
0x40: {  	[sflag:s3] =	ssyncset.done $0x0  }
0x41: {  	[sflag:s3] =	ssyncadd.s32 $0xFFFF8000  }
0x42: {  	[tilespmem:s9], [sflag:$0x1] =	stream.indirect.gather [hbm4b:s7+s8], $0x80, s6, s8, $0xb8;
	[tilespmem:$0x10400] =	vst v63  }
0x43: {  	_ =	swait.ge [sflag:s13], $0x8000  }
0x44: {  	[sflag:s13] =	ssyncset.done $0x0  }
0x45: {  	[sflag:s13] =	ssyncadd.s32 $0xFFFF8000  }
0x46: {  	[hbm4b:s14+s2] =	stream.linear.scatter [tilespmem:s10], [sflag:$0x3], $0x8000, $0x38;
	[tilespmem:$0x10400] =	vst v63  }
0x47: {  	_ =	swait.ge [sflag:s3], $0x8000  }
0x48: {  	[sflag:s3] =	ssyncset.done $0x0  }
0x49: {  	[sflag:s3] =	ssyncadd.s32 $0xFFFF8000  }
0x4a: {  	[tilespmem:s10], [sflag:$0x2] =	stream.indirect.gather [hbm4b:s7+s8], $0x80, s15, s8, $0xb8;
	[tilespmem:$0x10400] =	vst v63  }
0x4b: {  	_ =	swait.ge [sflag:s11], $0x8000  }
0x4c: {  	[sflag:s11] =	ssyncset.done $0x0  }
0x4d: {  	[sflag:s11] =	ssyncadd.s32 $0xFFFF8000  }
0x4e: {  	[hbm4b:s16+s2] =	stream.linear.scatter [tilespmem:s9], [sflag:$0x3], $0x8000, $0x38;
	[tilespmem:$0x10400] =	vst v63  }
0x4f: {  	_ =	swait.ge [sflag:s3], $0x8000  }
0x50: {  	[sflag:s3] =	ssyncset.done $0x0  }
0x51: {  	[sflag:s3] =	ssyncadd.s32 $0xFFFF8000  }
0x52: {  	_ =	swait.ge [sflag:s13], $0x8000  }
.Ltmp1:
0x53: {  	[sflag:s13] =	ssyncset.done $0x0;
	(pc) =	sbr.rel @p0 .LBB2_1-.Ltmp1, $4  }
0x54: {  	[sflag:s13] =	ssyncadd.s32 $0xFFFF8000  }
0x55: {  	[hbm4b:s17+s2] =	stream.linear.scatter [tilespmem:s10], [sflag:$0x3], $0x8000, $0x38;
	[tilespmem:$0x10400] =	vst v63  }
0x56: {  	_ =	swait.ge [sflag:s3], $0x8000  }
0x57: {  	[sflag:s3] =	ssyncset.done $0x0  }
.LBB2_2:
0x58: {  	[sflag:s3] =	ssyncadd.s32 $0xFFFF8000  }
0x59: {  	_ =	sfence.sel $0x180000  }
0x5a: {  	[bflag:$0x0] =	sbarrier.arrive $0xFFFF  }
0x5b: {  	p0 =	sne.s32 s0, $0x0;
	_ =	strace $0x90000047  }
0x5c: {  	s0 =	sadd.s32 @!p0 $0x100000, s1;
	[bflag:$0x2] =	sbarrier.arrive $0xFFFF  }
0x5d: {  	[sflag:s0] =	ssyncadd.tile.s32 @!p0 $0x1;
	_ =	shalt  }
.Lfunc_end2:
_tile_overlayer_lowered:
.L_overlay_start_2:
0x5e: {  	(tag) =	ssettag $0x2  }
0x5f: {  	s0 =	rddreg [dreg:$0x0];
	s2 =	stileid.u32  }
0x60: {  	s1 =	rddreg [dreg:$0x1];
	p0 =	sne.s32 s2, $0x0  }
0x61: {  	s3 =	rddreg [dreg:$0x2];
	[bflag:$0x3] =	sbarrier.arrive $0xFFFF;
	s2 =	simm.s32 @!p0 $0x1C03  }
0x62: {  	[timem:s3], [sflag:s2] =	dma.local @!p0 [hbm:s0], s1  }
0x63: {  	s0 =	simm.s32 @!p0 $0x3  }
0x64: {  	_ =	swait.ge @!p0 [sflag:s0], s1  }
0x65: {  	s1 =	ssub.s32 @!p0 $0x0, s1;
	[sflag:s0] =	ssyncset.done @!p0 $0x0  }
0x66: {  	[sflag:s0] =	ssyncadd.s32 @!p0 s1  }
0x67: {  	[bflag:$0x3] =	sbarrier.arrive $0xFFFF  }
0x68: {  	_ =	shalt  }

</sc_bundles>
